<compile_context>
chip_gen: v7x
topology: tpu7x:2x2x1
jax: 0.10.2.dev20260603
libtpu: 0.0.44.dev20260713+nightly
codegen_flags: <defaults>
</compile_context>

<pallas_src>
import functools

import jax
import jax.numpy as jnp
from jax import lax
from jax.experimental import pallas as pl
from jax.experimental.pallas import tpu as pltpu
from jax.experimental.pallas import tpu_sc as plsc


def _fold_kernel(tbl_ref, emb_ref, prior_ref, out_ref):
    v = (tbl_ref[...] + emb_ref[...]) * prior_ref[...]
    out_ref[...] = jnp.concatenate([v, v], axis=-1).reshape(out_ref.shape)


def _fold_tables(option_tables, attr_emb, prior):
    n_attrs, n_options, d_model = option_tables.shape
    ab = 4
    return pl.pallas_call(
        _fold_kernel,
        grid=(n_attrs // ab,),
        in_specs=[
            pl.BlockSpec((ab, n_options, d_model), lambda i: (i, 0, 0)),
            pl.BlockSpec((ab, 1, d_model), lambda i: (i, 0, 0)),
            pl.BlockSpec((ab, 1, 1), lambda i: (i, 0, 0)),
        ],
        out_specs=pl.BlockSpec((ab * n_options, 2 * d_model), lambda i: (i, 0)),
        out_shape=jax.ShapeDtypeStruct((n_attrs * n_options, 2 * d_model), jnp.float32),
    )(option_tables, attr_emb.reshape(n_attrs, 1, d_model), prior.reshape(n_attrs, 1, 1))


def _sc_gather(table2d, idx, window=400):
    num_rows = idx.shape[0]
    wide = table2d.shape[1]
    info = plsc.get_sparse_core_info()
    nc, ns = info.num_cores, info.num_subcores
    nw = nc * ns
    n_chunks = num_rows // (nw * window)
    assert num_rows == n_chunks * nw * window
    mesh = plsc.VectorSubcoreMesh(core_axis_name="c", subcore_axis_name="s")

    @functools.partial(
        pl.kernel,
        out_type=jax.ShapeDtypeStruct((num_rows, wide), jnp.float32),
        mesh=mesh,
        scratch_types=[
            pltpu.VMEM((window,), jnp.int32),
            pltpu.VMEM((window, wide), jnp.float32),
            pltpu.SemaphoreType.DMA,
        ],
    )
    def gather_kernel(tbl_hbm, idx_hbm, out_hbm, idx_v, rows_v, sem):
        wid = lax.axis_index("s") * nc + lax.axis_index("c")

        @pl.loop(0, n_chunks)
        def _(c):
            base = (c * nw + wid) * window
            pltpu.sync_copy(idx_hbm.at[pl.ds(base, window)], idx_v)
            pltpu.async_copy(tbl_hbm.at[idx_v], rows_v, sem).wait()
            pltpu.sync_copy(rows_v, out_hbm.at[pl.ds(base, window)])

    return gather_kernel(table2d, idx)


def _epilogue_kernel(g_ref, out_ref):
    val = g_ref[...][:, :64]
    eye = jnp.eye(64, dtype=jnp.float32)
    out_ref[0] = jax.lax.dot_general(
        eye, val, (((1,), (1,)), ((), ())),
        preferred_element_type=jnp.float32)


def _epilogue_half_kernel(g_ref, alias_ref, out_ref):
    del alias_ref
    _epilogue_kernel(g_ref, out_ref)


def _epilogue_half(gathered_half, prev, a0, n_half, batch, n_attrs, d_model):
    out_shape = jax.ShapeDtypeStruct((n_attrs, d_model, batch), jnp.float32)
    out_spec = pl.BlockSpec((1, d_model, batch), lambda a: (a0 + a, 0, 0))
    g_spec = pl.BlockSpec((batch, 2 * d_model), lambda a: (a, 0))
    if prev is None:
        return pl.pallas_call(
            _epilogue_kernel,
            grid=(n_half,),
            in_specs=[g_spec],
            out_specs=out_spec,
            out_shape=out_shape,
        )(gathered_half)
    return pl.pallas_call(
        _epilogue_half_kernel,
        grid=(n_half,),
        in_specs=[g_spec, pl.BlockSpec((1, 8, 128), lambda a: (0, 0, 0))],
        out_specs=out_spec,
        out_shape=out_shape,
        input_output_aliases={1: 0},
    )(gathered_half, prev)


def kernel(x, attr_emb, option_tables, prior):
    batch, n_attrs = x.shape
    _, n_options, d_model = option_tables.shape
    half = n_attrs // 2

    table = _fold_tables(option_tables, attr_emb, prior)
    xt = x.T
    offs = (jnp.arange(n_attrs, dtype=jnp.int32) * n_options)[:, None]
    flat_idx = (xt + offs).reshape(n_attrs, batch)

    g1 = _sc_gather(table, flat_idx[:half].reshape(half * batch))
    g2 = _sc_gather(table, flat_idx[half:].reshape(half * batch))
    out1 = _epilogue_half(g1, None, 0, half, batch, n_attrs, d_model)
    out2 = _epilogue_half(g2, out1, half, half, batch, n_attrs, d_model)
    return jnp.transpose(out2, (2, 0, 1))

# --- scband reference (transcript-rebuilt; emitter-appended) ---
"""Pipeline reference for scband-scale-tokenizer-35150012351251 (READ-ONLY COPY).

The authoritative reference and input builder live on the scoring server;
editing this copy changes nothing except your own understanding.
"""

import jax, jax.numpy as jnp
import numpy as np

N_ATTRS = 100
N_OPTIONS = 1000
D_MODEL = 64
BATCH = 4096


def setup_inputs(seed: int = 0) -> dict:
    key = jax.random.key(seed)
    k1, k2, k3 = jax.random.split(key, 3)
    x = jax.random.randint(k1, (BATCH, N_ATTRS), 0, N_OPTIONS, dtype=jnp.int32)
    attr_emb = jax.random.normal(k2, (N_ATTRS, D_MODEL), dtype=jnp.float32) * 0.02
    # all per-attribute option tables have the same vocab size, stack into one tensor
    option_tables = jax.random.normal(k3, (N_ATTRS, N_OPTIONS, D_MODEL), dtype=jnp.float32) * 0.02
    prior = jnp.ones((N_ATTRS, 1), dtype=jnp.float32)
    return {"x": x, "attr_emb": attr_emb, "option_tables": option_tables, "prior": prior}


def reference(x, attr_emb, option_tables, prior):
    # attr_part: [n_attrs, d_model] broadcast over batch
    # val_part: per-attribute embedding lookup -> [B, n_attrs, d_model]
    attr_ids = jnp.arange(N_ATTRS)
    val_part = option_tables[attr_ids[None, :], x]  # gather [B, n_attrs, d_model]
    tokens = (attr_emb[None, :, :] + val_part) * prior[None, :, :]
    return tokens

if __name__ == "__main__":
    import jax
    _d = setup_inputs()
    print(jax.jit(kernel)(*tuple(_d.values())))

</pallas_src>

<mosaic_0001>
#map = affine_map<(d0, d1) -> (0, 0)>
#map1 = affine_map<(d0, d1) -> (0)>
module attributes {stable_mosaic.version = 14 : i64} {
  func.func @gather_kernel(%arg0: i32, %arg1: i32, %arg2: memref<100000x128xf32, #tpu.memory_space<hbm>>, %arg3: memref<204800xi32, #tpu.memory_space<hbm>>, %arg4: memref<204800x128xf32, #tpu.memory_space<hbm>>, %arg5: memref<400xi32, #tpu.memory_space<vmem>>, %arg6: memref<400x128xf32, #tpu.memory_space<vmem>>, %arg7: memref<!tpu.dma_semaphore, #tpu.memory_space<semaphore_mem>>) attributes {dimension_semantics = [#tpu.dimension_semantics<core_parallel>, #tpu.dimension_semantics<subcore_parallel>], iteration_bounds = array<i64: 2, 16>, scalar_prefetch = 0 : i64, scratch_operands = 3 : i64, tpu.core_type = #tpu.core_type<sc_vector_subcore>, window_params = [{transform_indices = #map}, {transform_indices = #map1}, {transform_indices = #map}]} {
    %mul3A = arith.constant 2 : i32
    %mul3A_0 = arith.muli %arg1, %mul3A : i32
    %add3A = arith.addi %mul3A_0, %arg0 : i32
    %scan3A = arith.constant 0 : i32
    %scan3A_1 = arith.constant 16 : i32
    %scan3A_2 = arith.addi %scan3A, %scan3A_1 : i32
    %scan3A_3 = arith.constant 1 : i32
    scf.for %scan3A_5 = %scan3A to %scan3A_2 step %scan3A_3  : i32 {
      %mul3A_6 = arith.constant 1 : i32
      %mul3A_7 = arith.muli %scan3A_5, %mul3A_6 : i32
      %add3A_8 = arith.constant 0 : i32
      %add3A_9 = arith.addi %add3A_8, %mul3A_7 : i32
      %mul3A_10 = arith.constant 32 : i32
      %mul3A_11 = arith.muli %add3A_9, %mul3A_10 : i32
      %add3A_12 = arith.addi %mul3A_11, %add3A : i32
      %mul3A_13 = arith.constant 400 : i32
      %mul3A_14 = arith.muli %add3A_12, %mul3A_13 : i32
      "tpu.region"() ({
        %run_scoped3A = tpu.sem_alloc : memref<!tpu.dma_semaphore, #tpu.memory_space<semaphore_mem>>
        %dma_start3A_19 = tpu.memref_slice %arg3[%mul3A_14] : memref<204800xi32, #tpu.memory_space<hbm>> -> memref<400xi32, #tpu.memory_space<hbm>>
        %dma_start3A_20 = tpu.memref_slice %arg3[%mul3A_14] : memref<204800xi32, #tpu.memory_space<hbm>> -> memref<400xi32, #tpu.memory_space<hbm>>
        tpu.enqueue_dma source(%dma_start3A_20 : memref<400xi32, #tpu.memory_space<hbm>>) target(%arg5 : memref<400xi32, #tpu.memory_space<vmem>>) target_semaphore(%run_scoped3A : memref<!tpu.dma_semaphore, #tpu.memory_space<semaphore_mem>>)
        %dma_wait3A_21 = tpu.memref_slice %arg3[%mul3A_14] : memref<204800xi32, #tpu.memory_space<hbm>> -> memref<400xi32, #tpu.memory_space<hbm>>
        %dma_wait3A_22 = tpu.memref_slice %arg3[%mul3A_14] : memref<204800xi32, #tpu.memory_space<hbm>> -> memref<400xi32, #tpu.memory_space<hbm>>
        tpu.wait_dma2 semaphore(%run_scoped3A : memref<!tpu.dma_semaphore, #tpu.memory_space<semaphore_mem>>) src(%dma_wait3A_22 : memref<400xi32, #tpu.memory_space<hbm>>) dst(%arg5 : memref<400xi32, #tpu.memory_space<vmem>>)
        tpu.yield
      }) : () -> ()
      %dma_start3A = arith.constant 0 : i32
      %dma_start3A_15 = arith.constant 0 : i32
      %dma_start3A_16 = tpu.memref_slice %arg2[%dma_start3A, %dma_start3A_15] : memref<100000x128xf32, #tpu.memory_space<hbm>> -> memref<100000x128xf32, #tpu.memory_space<hbm>>
      tpu.enqueue_indirect_dma source(%dma_start3A_16 : memref<100000x128xf32, #tpu.memory_space<hbm>>) target(%arg6 : memref<400x128xf32, #tpu.memory_space<vmem>>) offsets(%arg5 : memref<400xi32, #tpu.memory_space<vmem>>) semaphore(%arg7 : memref<!tpu.dma_semaphore, #tpu.memory_space<semaphore_mem>>)
      %dma_wait3A = arith.constant 0 : i32
      %dma_wait3A_17 = arith.constant 0 : i32
      %dma_wait3A_18 = tpu.memref_slice %arg2[%dma_wait3A, %dma_wait3A_17] : memref<100000x128xf32, #tpu.memory_space<hbm>> -> memref<100000x128xf32, #tpu.memory_space<hbm>>
      tpu.wait_indirect_dma semaphore(%arg7 : memref<!tpu.dma_semaphore, #tpu.memory_space<semaphore_mem>>) src(%dma_wait3A_18 : memref<100000x128xf32, #tpu.memory_space<hbm>>) dst(%arg6 : memref<400x128xf32, #tpu.memory_space<vmem>>)
      "tpu.region"() ({
        %run_scoped3A = tpu.sem_alloc : memref<!tpu.dma_semaphore, #tpu.memory_space<semaphore_mem>>
        %dma_start3A_19 = arith.constant 0 : i32
        %dma_start3A_20 = tpu.memref_slice %arg4[%mul3A_14, %dma_start3A_19] : memref<204800x128xf32, #tpu.memory_space<hbm>> -> memref<400x128xf32, #tpu.memory_space<hbm>>
        %dma_start3A_21 = arith.constant 0 : i32
        %dma_start3A_22 = tpu.memref_slice %arg4[%mul3A_14, %dma_start3A_21] : memref<204800x128xf32, #tpu.memory_space<hbm>> -> memref<400x128xf32, #tpu.memory_space<hbm>>
        tpu.enqueue_dma source(%arg6 : memref<400x128xf32, #tpu.memory_space<vmem>>) target(%dma_start3A_22 : memref<400x128xf32, #tpu.memory_space<hbm>>) target_semaphore(%run_scoped3A : memref<!tpu.dma_semaphore, #tpu.memory_space<semaphore_mem>>)
        %dma_wait3A_23 = arith.constant 0 : i32
        %dma_wait3A_24 = tpu.memref_slice %arg4[%mul3A_14, %dma_wait3A_23] : memref<204800x128xf32, #tpu.memory_space<hbm>> -> memref<400x128xf32, #tpu.memory_space<hbm>>
        %dma_wait3A_25 = arith.constant 0 : i32
        %dma_wait3A_26 = tpu.memref_slice %arg4[%mul3A_14, %dma_wait3A_25] : memref<204800x128xf32, #tpu.memory_space<hbm>> -> memref<400x128xf32, #tpu.memory_space<hbm>>
        tpu.wait_dma2 semaphore(%run_scoped3A : memref<!tpu.dma_semaphore, #tpu.memory_space<semaphore_mem>>) src(%arg6 : memref<400x128xf32, #tpu.memory_space<vmem>>) dst(%dma_wait3A_26 : memref<400x128xf32, #tpu.memory_space<hbm>>)
        tpu.yield
      }) : () -> ()
    }
    %scan3A_4 = arith.constant 16 : i32
    return
  }
}

#map = affine_map<(d0, d1) -> (0, 0)>
#map1 = affine_map<(d0, d1) -> (0)>
module attributes {stable_mosaic.version = 14 : i64} {
  func.func @gather_kernel(%arg0: i32, %arg1: i32, %arg2: memref<100000x128xf32, #tpu.memory_space<hbm>>, %arg3: memref<204800xi32, #tpu.memory_space<hbm>>, %arg4: memref<204800x128xf32, #tpu.memory_space<hbm>>, %arg5: memref<400xi32, #tpu.memory_space<vmem>>, %arg6: memref<400x128xf32, #tpu.memory_space<vmem>>, %arg7: memref<!tpu.dma_semaphore, #tpu.memory_space<semaphore_mem>>) attributes {dimension_semantics = [#tpu.dimension_semantics<core_parallel>, #tpu.dimension_semantics<subcore_parallel>], iteration_bounds = array<i64: 2, 16>, scalar_prefetch = 0 : i64, scratch_operands = 3 : i64, tpu.core_type = #tpu.core_type<sc_vector_subcore>, window_params = [{transform_indices = #map}, {transform_indices = #map1}, {transform_indices = #map}]} {
    %mul3A = arith.constant 2 : i32
    %mul3A_0 = arith.muli %arg1, %mul3A : i32
    %add3A = arith.addi %mul3A_0, %arg0 : i32
    %scan3A = arith.constant 0 : i32
    %scan3A_1 = arith.constant 16 : i32
    %scan3A_2 = arith.addi %scan3A, %scan3A_1 : i32
    %scan3A_3 = arith.constant 1 : i32
    scf.for %scan3A_5 = %scan3A to %scan3A_2 step %scan3A_3  : i32 {
      %mul3A_6 = arith.constant 1 : i32
      %mul3A_7 = arith.muli %scan3A_5, %mul3A_6 : i32
      %add3A_8 = arith.constant 0 : i32
      %add3A_9 = arith.addi %add3A_8, %mul3A_7 : i32
      %mul3A_10 = arith.constant 32 : i32
      %mul3A_11 = arith.muli %add3A_9, %mul3A_10 : i32
      %add3A_12 = arith.addi %mul3A_11, %add3A : i32
      %mul3A_13 = arith.constant 400 : i32
      %mul3A_14 = arith.muli %add3A_12, %mul3A_13 : i32
      "tpu.region"() ({
        %run_scoped3A = tpu.sem_alloc : memref<!tpu.dma_semaphore, #tpu.memory_space<semaphore_mem>>
        %dma_start3A_19 = tpu.memref_slice %arg3[%mul3A_14] : memref<204800xi32, #tpu.memory_space<hbm>> -> memref<400xi32, #tpu.memory_space<hbm>>
        %dma_start3A_20 = tpu.memref_slice %arg3[%mul3A_14] : memref<204800xi32, #tpu.memory_space<hbm>> -> memref<400xi32, #tpu.memory_space<hbm>>
        tpu.enqueue_dma source(%dma_start3A_20 : memref<400xi32, #tpu.memory_space<hbm>>) target(%arg5 : memref<400xi32, #tpu.memory_space<vmem>>) target_semaphore(%run_scoped3A : memref<!tpu.dma_semaphore, #tpu.memory_space<semaphore_mem>>)
        %dma_wait3A_21 = tpu.memref_slice %arg3[%mul3A_14] : memref<204800xi32, #tpu.memory_space<hbm>> -> memref<400xi32, #tpu.memory_space<hbm>>
        %dma_wait3A_22 = tpu.memref_slice %arg3[%mul3A_14] : memref<204800xi32, #tpu.memory_space<hbm>> -> memref<400xi32, #tpu.memory_space<hbm>>
        tpu.wait_dma2 semaphore(%run_scoped3A : memref<!tpu.dma_semaphore, #tpu.memory_space<semaphore_mem>>) src(%dma_wait3A_22 : memref<400xi32, #tpu.memory_space<hbm>>) dst(%arg5 : memref<400xi32, #tpu.memory_space<vmem>>)
        tpu.yield
      }) : () -> ()
      %dma_start3A = arith.constant 0 : i32
      %dma_start3A_15 = arith.constant 0 : i32
      %dma_start3A_16 = tpu.memref_slice %arg2[%dma_start3A, %dma_start3A_15] : memref<100000x128xf32, #tpu.memory_space<hbm>> -> memref<100000x128xf32, #tpu.memory_space<hbm>>
      tpu.enqueue_indirect_dma source(%dma_start3A_16 : memref<100000x128xf32, #tpu.memory_space<hbm>>) target(%arg6 : memref<400x128xf32, #tpu.memory_space<vmem>>) offsets(%arg5 : memref<400xi32, #tpu.memory_space<vmem>>) semaphore(%arg7 : memref<!tpu.dma_semaphore, #tpu.memory_space<semaphore_mem>>)
      %dma_wait3A = arith.constant 0 : i32
      %dma_wait3A_17 = arith.constant 0 : i32
      %dma_wait3A_18 = tpu.memref_slice %arg2[%dma_wait3A, %dma_wait3A_17] : memref<100000x128xf32, #tpu.memory_space<hbm>> -> memref<100000x128xf32, #tpu.memory_space<hbm>>
      tpu.wait_indirect_dma semaphore(%arg7 : memref<!tpu.dma_semaphore, #tpu.memory_space<semaphore_mem>>) src(%dma_wait3A_18 : memref<100000x128xf32, #tpu.memory_space<hbm>>) dst(%arg6 : memref<400x128xf32, #tpu.memory_space<vmem>>)
      "tpu.region"() ({
        %run_scoped3A = tpu.sem_alloc : memref<!tpu.dma_semaphore, #tpu.memory_space<semaphore_mem>>
        %dma_start3A_19 = arith.constant 0 : i32
        %dma_start3A_20 = tpu.memref_slice %arg4[%mul3A_14, %dma_start3A_19] : memref<204800x128xf32, #tpu.memory_space<hbm>> -> memref<400x128xf32, #tpu.memory_space<hbm>>
        %dma_start3A_21 = arith.constant 0 : i32
        %dma_start3A_22 = tpu.memref_slice %arg4[%mul3A_14, %dma_start3A_21] : memref<204800x128xf32, #tpu.memory_space<hbm>> -> memref<400x128xf32, #tpu.memory_space<hbm>>
        tpu.enqueue_dma source(%arg6 : memref<400x128xf32, #tpu.memory_space<vmem>>) target(%dma_start3A_22 : memref<400x128xf32, #tpu.memory_space<hbm>>) target_semaphore(%run_scoped3A : memref<!tpu.dma_semaphore, #tpu.memory_space<semaphore_mem>>)
        %dma_wait3A_23 = arith.constant 0 : i32
        %dma_wait3A_24 = tpu.memref_slice %arg4[%mul3A_14, %dma_wait3A_23] : memref<204800x128xf32, #tpu.memory_space<hbm>> -> memref<400x128xf32, #tpu.memory_space<hbm>>
        %dma_wait3A_25 = arith.constant 0 : i32
        %dma_wait3A_26 = tpu.memref_slice %arg4[%mul3A_14, %dma_wait3A_25] : memref<204800x128xf32, #tpu.memory_space<hbm>> -> memref<400x128xf32, #tpu.memory_space<hbm>>
        tpu.wait_dma2 semaphore(%run_scoped3A : memref<!tpu.dma_semaphore, #tpu.memory_space<semaphore_mem>>) src(%arg6 : memref<400x128xf32, #tpu.memory_space<vmem>>) dst(%dma_wait3A_26 : memref<400x128xf32, #tpu.memory_space<hbm>>)
        tpu.yield
      }) : () -> ()
    }
    %scan3A_4 = arith.constant 16 : i32
    return
  }
}

module attributes {stable_mosaic.version = 14 : i64} {
  func.func @_fold_kernel(%arg0: i32, %arg1: memref<4x1000x64xf32, #tpu.memory_space<vmem>>, %arg2: memref<4x1x64xf32, #tpu.memory_space<vmem>>, %arg3: memref<4x1x1xf32, #tpu.memory_space<vmem>>, %arg4: memref<4000x128xf32, #tpu.memory_space<vmem>>) attributes {dimension_semantics = [#tpu.dimension_semantics<arbitrary>], iteration_bounds = array<i64: 25>, scalar_prefetch = 0 : i64, scratch_operands = 0 : i64, tpu.core_type = #tpu.core_type<tc>, window_params = [{transform_indices = @transform_0, window_bounds = array<i64: 4, 1000, 64>}, {transform_indices = @transform_1, window_bounds = array<i64: 4, 1, 64>}, {transform_indices = @transform_2, window_bounds = array<i64: 4, 1, 1>}, {transform_indices = @transform_3, window_bounds = array<i64: 4000, 128>}]} {
    %get3A = arith.constant 0 : index
    %get3A_0 = arith.constant 0 : index
    %get3A_1 = arith.constant 0 : index
    %get3A_2 = vector.load %arg1[%get3A, %get3A_0, %get3A_1] : memref<4x1000x64xf32, #tpu.memory_space<vmem>>, vector<4x1000x64xf32>
    %get3A_3 = arith.constant 0 : index
    %get3A_4 = arith.constant 0 : index
    %get3A_5 = arith.constant 0 : index
    %get3A_6 = vector.load %arg2[%get3A_3, %get3A_4, %get3A_5] : memref<4x1x64xf32, #tpu.memory_space<vmem>>, vector<4x1x64xf32>
    %add3A = vector.broadcast %get3A_6 : vector<4x1x64xf32> to vector<4x1000x64xf32>
    %add3A_7 = arith.addf %get3A_2, %add3A : vector<4x1000x64xf32>
    %get3A_8 = arith.constant 0 : index
    %get3A_9 = arith.constant 0 : index
    %get3A_10 = arith.constant 0 : index
    %get3A_11 = vector.load %arg3[%get3A_8, %get3A_9, %get3A_10] : memref<4x1x1xf32, #tpu.memory_space<vmem>>, vector<4x1x1xf32>
    %mul3A = vector.broadcast %get3A_11 : vector<4x1x1xf32> to vector<4x1000x64xf32>
    %mul3A_12 = arith.mulf %add3A_7, %mul3A : vector<4x1000x64xf32>
    %concatenate3A = tpu.concatenate %mul3A_12, %mul3A_12 in 2 : vector<4x1000x64xf32>, vector<4x1000x64xf32> -> vector<4x1000x128xf32>
    %reshape3A = vector.shape_cast %concatenate3A : vector<4x1000x128xf32> to vector<4000x128xf32>
    %swap3A = arith.constant 0 : index
    %swap3A_13 = arith.constant 0 : index
    %swap3A_14 = vector.load %arg4[%swap3A, %swap3A_13] : memref<4000x128xf32, #tpu.memory_space<vmem>>, vector<4000x128xf32>
    tpu.vector_store %arg4[%swap3A, %swap3A_13], %reshape3A {strides = array<i32>} : memref<4000x128xf32, #tpu.memory_space<vmem>>, vector<4000x128xf32>,
    return
  }
  func.func @transform_0(%arg0: i32) -> (i32, i32, i32) {
    %c0_i32 = arith.constant 0 : i32
    %c0_i32_0 = arith.constant 0 : i32
    %c0_i32_1 = arith.constant 0 : i32
    return %arg0, %c0_i32, %c0_i32_0 : i32, i32, i32
  }
  func.func @transform_1(%arg0: i32) -> (i32, i32, i32) {
    %c0_i32 = arith.constant 0 : i32
    %c0_i32_0 = arith.constant 0 : i32
    %c0_i32_1 = arith.constant 0 : i32
    return %arg0, %c0_i32, %c0_i32_0 : i32, i32, i32
  }
  func.func @transform_2(%arg0: i32) -> (i32, i32, i32) {
    %c0_i32 = arith.constant 0 : i32
    %c0_i32_0 = arith.constant 0 : i32
    %c0_i32_1 = arith.constant 0 : i32
    return %arg0, %c0_i32, %c0_i32_0 : i32, i32, i32
  }
  func.func @transform_3(%arg0: i32) -> (i32, i32) {
    %c0_i32 = arith.constant 0 : i32
    %c0_i32_0 = arith.constant 0 : i32
    return %arg0, %c0_i32 : i32, i32
  }
}

module attributes {stable_mosaic.version = 14 : i64} {
  func.func @_epilogue_kernel(%arg0: i32, %arg1: memref<4096x128xf32, #tpu.memory_space<vmem>>, %arg2: memref<1x64x4096xf32, #tpu.memory_space<vmem>>) attributes {dimension_semantics = [#tpu.dimension_semantics<arbitrary>], iteration_bounds = array<i64: 50>, scalar_prefetch = 0 : i64, scratch_operands = 0 : i64, tpu.core_type = #tpu.core_type<tc>, window_params = [{transform_indices = @transform_0, window_bounds = array<i64: 4096, 128>}, {transform_indices = @transform_1, window_bounds = array<i64: 1, 64, 4096>}]} {
    %get3A = arith.constant 0 : index
    %get3A_0 = arith.constant 0 : index
    %get3A_1 = vector.load %arg1[%get3A, %get3A_0] : memref<4096x128xf32, #tpu.memory_space<vmem>>, vector<4096x128xf32>
    %slice3A = vector.extract_strided_slice %get3A_1 {offsets = [0, 0], sizes = [4096, 64], strides = [1, 1]} : vector<4096x128xf32> to vector<4096x64xf32>
    %iota3A = tpu.iota {dimensions = array<i32: 0>} : vector<64x64xi32>
    %iota3A_2 = tpu.iota {dimensions = array<i32: 1>} : vector<64x64xi32>
    %add3A = arith.constant 0 : i32
    %add3A_3 = vector.broadcast %add3A : i32 to vector<64x64xi32>
    %add3A_4 = arith.addi %iota3A, %add3A_3 : vector<64x64xi32>
    %eq3A = arith.cmpi eq, %add3A_4, %iota3A_2 : vector<64x64xi32>
    %convert_element_type3A = arith.extui %eq3A : vector<64x64xi1> to vector<64x64xi32>
    %convert_element_type3A_5 = arith.sitofp %convert_element_type3A : vector<64x64xi32> to vector<64x64xf32>
    %dot_general3A = arith.constant dense<0.000000e+00> : vector<64x4096xf32>
    %dot_general3A_6 = tpu.matmul %convert_element_type3A_5, %slice3A, %dot_general3A {dimension_numbers = #tpu.dot_dimension_numbers<[1], [1], [0], [0], [0, 0, 1, 0], [], []>, transpose_lhs_hint = false} : vector<64x64xf32>, vector<4096x64xf32>, vector<64x4096xf32> -> vector<64x4096xf32>
    %swap3A = arith.constant 0 : index
    %swap3A_7 = arith.constant 0 : index
    %swap3A_8 = arith.constant 0 : index
    %swap3A_9 = vector.load %arg2[%swap3A, %swap3A_7, %swap3A_8] : memref<1x64x4096xf32, #tpu.memory_space<vmem>>, vector<1x64x4096xf32>
    %swap3A_10 = vector.shape_cast %swap3A_9 : vector<1x64x4096xf32> to vector<64x4096xf32>
    %swap3A_11 = vector.shape_cast %dot_general3A_6 : vector<64x4096xf32> to vector<1x64x4096xf32>
    tpu.vector_store %arg2[%swap3A, %swap3A_7, %swap3A_8], %swap3A_11 {strides = array<i32>} : memref<1x64x4096xf32, #tpu.memory_space<vmem>>, vector<1x64x4096xf32>,
    return
  }
  func.func @transform_0(%arg0: i32) -> (i32, i32) {
    %c0_i32 = arith.constant 0 : i32
    %c0_i32_0 = arith.constant 0 : i32
    return %arg0, %c0_i32 : i32, i32
  }
  func.func @transform_1(%arg0: i32) -> (i32, i32, i32) {
    %add3A = arith.constant 0 : i32
    %add3A_0 = arith.addi %add3A, %arg0 : i32
    %c0_i32 = arith.constant 0 : i32
    %c0_i32_1 = arith.constant 0 : i32
    %c0_i32_2 = arith.constant 0 : i32
    return %add3A_0, %c0_i32, %c0_i32_1 : i32, i32, i32
  }
}

module attributes {stable_mosaic.version = 14 : i64} {
  func.func @_epilogue_half_kernel(%arg0: i32, %arg1: memref<4096x128xf32, #tpu.memory_space<vmem>>, %arg2: memref<1x8x128xf32, #tpu.memory_space<vmem>>, %arg3: memref<1x64x4096xf32, #tpu.memory_space<vmem>>) attributes {dimension_semantics = [#tpu.dimension_semantics<arbitrary>], iteration_bounds = array<i64: 50>, scalar_prefetch = 0 : i64, scratch_operands = 0 : i64, tpu.core_type = #tpu.core_type<tc>, window_params = [{transform_indices = @transform_0, window_bounds = array<i64: 4096, 128>}, {transform_indices = @transform_1, window_bounds = array<i64: 1, 8, 128>}, {transform_indices = @transform_2, window_bounds = array<i64: 1, 64, 4096>}]} {
    %get3A = arith.constant 0 : index
    %get3A_0 = arith.constant 0 : index
    %get3A_1 = vector.load %arg1[%get3A, %get3A_0] : memref<4096x128xf32, #tpu.memory_space<vmem>>, vector<4096x128xf32>
    %slice3A = vector.extract_strided_slice %get3A_1 {offsets = [0, 0], sizes = [4096, 64], strides = [1, 1]} : vector<4096x128xf32> to vector<4096x64xf32>
    %iota3A = tpu.iota {dimensions = array<i32: 0>} : vector<64x64xi32>
    %iota3A_2 = tpu.iota {dimensions = array<i32: 1>} : vector<64x64xi32>
    %add3A = arith.constant 0 : i32
    %add3A_3 = vector.broadcast %add3A : i32 to vector<64x64xi32>
    %add3A_4 = arith.addi %iota3A, %add3A_3 : vector<64x64xi32>
    %eq3A = arith.cmpi eq, %add3A_4, %iota3A_2 : vector<64x64xi32>
    %convert_element_type3A = arith.extui %eq3A : vector<64x64xi1> to vector<64x64xi32>
    %convert_element_type3A_5 = arith.sitofp %convert_element_type3A : vector<64x64xi32> to vector<64x64xf32>
    %dot_general3A = arith.constant dense<0.000000e+00> : vector<64x4096xf32>
    %dot_general3A_6 = tpu.matmul %convert_element_type3A_5, %slice3A, %dot_general3A {dimension_numbers = #tpu.dot_dimension_numbers<[1], [1], [0], [0], [0, 0, 1, 0], [], []>, transpose_lhs_hint = false} : vector<64x64xf32>, vector<4096x64xf32>, vector<64x4096xf32> -> vector<64x4096xf32>
    %swap3A = arith.constant 0 : index
    %swap3A_7 = arith.constant 0 : index
    %swap3A_8 = arith.constant 0 : index
    %swap3A_9 = vector.load %arg3[%swap3A, %swap3A_7, %swap3A_8] : memref<1x64x4096xf32, #tpu.memory_space<vmem>>, vector<1x64x4096xf32>
    %swap3A_10 = vector.shape_cast %swap3A_9 : vector<1x64x4096xf32> to vector<64x4096xf32>
    %swap3A_11 = vector.shape_cast %dot_general3A_6 : vector<64x4096xf32> to vector<1x64x4096xf32>
    tpu.vector_store %arg3[%swap3A, %swap3A_7, %swap3A_8], %swap3A_11 {strides = array<i32>} : memref<1x64x4096xf32, #tpu.memory_space<vmem>>, vector<1x64x4096xf32>,
    return
  }
  func.func @transform_0(%arg0: i32) -> (i32, i32) {
    %c0_i32 = arith.constant 0 : i32
    %c0_i32_0 = arith.constant 0 : i32
    return %arg0, %c0_i32 : i32, i32
  }
  func.func @transform_1(%arg0: i32) -> (i32, i32, i32) {
    %c0_i32 = arith.constant 0 : i32
    %c0_i32_0 = arith.constant 0 : i32
    %c0_i32_1 = arith.constant 0 : i32
    %c0_i32_2 = arith.constant 0 : i32
    return %c0_i32, %c0_i32_0, %c0_i32_1 : i32, i32, i32
  }
  func.func @transform_2(%arg0: i32) -> (i32, i32, i32) {
    %add3A = arith.constant 50 : i32
    %add3A_0 = arith.addi %add3A, %arg0 : i32
    %c0_i32 = arith.constant 0 : i32
    %c0_i32_1 = arith.constant 0 : i32
    %c0_i32_2 = arith.constant 0 : i32
    return %add3A_0, %c0_i32, %c0_i32_1 : i32, i32, i32
  }
}

</mosaic_0001>

<sc_bundles>
// kernel: kernel.10.cloned.1.call-start
scs
__scs_entry_jumppad:
0x0: {  	(pc) =	sbr.rel $0x88, $3  }
0x1: {  	(tag) =	ssettag $0x0;
	lr =	simm.s32 $0x1  }
0x2: {  	[smem:$0x3F9D] =	sst lr;
	_ =	strace $0xD0000000  }
0x3: {  	_ = 	snop  }
0x4: {  	_ = 	snop  }
0x5: {  	_ = 	snop  }
0x6: {  	_ = 	snop  }
0x7: {  	_ = 	snop  }
__scs_overlays_trampoline_lowered:
0x8: {  	[smem:$0x3FAC] =	sst s0  }
0x9: {  	[smem:$0x3FAD] =	sst s1  }
0xa: {  	[smem:$0x3FAE] =	sst s2  }
0xb: {  	[smem:$0x3FAF] =	sst s3  }
0xc: {  	[smem:$0x3FB0] =	sst s4  }
0xd: {  	[smem:$0x3FB1] =	sst s5  }
0xe: {  	[smem:$0x3FB2] =	sst s6  }
0xf: {  	[smem:$0x3FB3] =	sst s7  }
0x10: {  	[smem:$0x3FB4] =	sst s8  }
0x11: {  	[smem:$0x3FB5] =	sst s9;
	s0 =	simm.s32 @!p0 $0x0  }
0x12: {  	s1 =	sld [smem:$0x3F9B];
	s0 =	simm.s32 @p0 $0x1  }
0x13: {  	[smem:$0x3FB6] =	sst s0;
	s0 =	simm.s32 @!p1 $0x0  }
0x14: {  	s2 =	sld [smem:$0x3F9A];
	s0 =	simm.s32 @p1 $0x1  }
0x15: {  	[smem:$0x3FB7] =	sst s0;
	s0 =	simm.s32 @!p2 $0x0  }
0x16: {  	s3 =	sld [smem:$0x3FDB];
	s0 =	simm.s32 @p2 $0x1  }
0x17: {  	s4 =	simm.s32 $0x1BF5;
	[smem:$0x3FB9] =	sst s0  }
0x18: {  	s0 =	sld [smem:$0x3F9C];
	_ =	swait.ge [sflag:s4], $0x0  }
0x19: {  	s7 =	sld [smem:$0x3F9D]  }
0x1a: {  	s8 =	sadd.s32 $0xFFFFE003, lr  }
0x1b: {  	s9 =	sadd.s32 $0xFFFFFEF7, lr;
	s5 =	simm.s32 $0xFFFFFFFF;
	p2 =	slt.u32 s8, $0xFFFFF086  }
0x1c: {  	p1 =	slt.u32 s9, $0xF7A;
	s5 =	simm.s32 @!p2 $0x0  }
0x1d: {  	s5 =	simm.s32 @p1 $0x1;
	p0 =	seq.s32 s7, s2  }
0x1e: {  	s7 =	smul.u32 @!p0 $0xF7A, s2;
	p2 =	seq.s32 @!p0 s5, $0x0  }
0x1f: {  	s9 =	smul.u32 $0xF7A, s1;
	s8 =	simm.s32 @!p0 $0x1BF5;
	p2 =	por !p2, p0  }
0x20: {  	[sflag:s8] =	ssyncset.s32 @!p0 $0xFFFFF086;
	s6 =	sadd.s32 @!p0 s3, s7;
	s7 =	simm.s32 @!p0 $0x108  }
0x21: {  	s3 =	sadd.s32 s3, s9;
	s6 =	sadd.s32 @!p0 $0x88, s6;
	s7 =	simm.s32 @p2 $0x1082  }
0x22: {  	[simem:s7], [sflag:s8] =	dma.local @!p0 [hbm:s6], $0xF7A  }
0x23: {  	s9 =	sor.u32 $0xD0000000, s2;
	s6 =	simm.s32 $0x108;
	_ =	swait.ge @!p0 [sflag:s8], $0x0  }
0x24: {  	s3 =	sadd.s32 $0x88, s3;
	s6 =	simm.s32 @!p1 $0x1082;
	[sflag:s4] =	ssyncset.s32 $0xFFFFF086  }
0x25: {  	[simem:s6], [sflag:s4] =	dma.local [hbm:s3], $0xF7A  }
0x26: {  	[smem:$0x3F9D] =	sst s1;
	(tag) =	ssettag s2;
	_ =	strace s9  }
0x27: {  	s1 =	sld [smem:$0x3FAD]  }
0x28: {  	s2 =	sld [smem:$0x3FAE]  }
0x29: {  	s4 =	sld [smem:$0x3FB0]  }
0x2a: {  	p0 =	seq.s32 s5, $0x0;
	s5 =	sld [smem:$0x3FB1]  }
0x2b: {  	s6 =	sld [smem:$0x3FB2]  }
0x2c: {  	s7 =	sld [smem:$0x3FB3]  }
0x2d: {  	s3 =	simm.s32 $0x108;
	s8 =	sld [smem:$0x3FB4]  }
0x2e: {  	s3 =	simm.s32 @!p0 $0x1082;
	s9 =	sld [smem:$0x3FB5]  }
0x2f: {  	lr =	sadd.s32 s0, s3;
	s0 =	sld [smem:$0x3FAC]  }
0x30: {  	s3 =	sld [smem:$0x3FAF]  }
0x31: {  	[smem:$0x3FB8] =	sst s10  }
0x32: {  	s10 =	sld [smem:$0x3FB6];
	_ =	sdelay $0x3  }
0x33: {  	p0 =	seq.s32 s10, $0x1;
	s10 =	sld [smem:$0x3FB8];
	_ =	sdelay $0x3  }
0x34: {  	[smem:$0x3FB8] =	sst s10  }
0x35: {  	s10 =	sld [smem:$0x3FB7];
	_ =	sdelay $0x3  }
0x36: {  	p1 =	seq.s32 s10, $0x1;
	s10 =	sld [smem:$0x3FB8];
	_ =	sdelay $0x3  }
0x37: {  	[smem:$0x3FB8] =	sst s10  }
0x38: {  	s10 =	sld [smem:$0x3FB9]  }
0x39: {  	_ = 	snop;
	(pc) =	sbr.ind lr, $3  }
0x3a: {  	_ = 	snop  }
0x3b: {  	_ = 	snop  }
0x3c: {  	p2 =	seq.s32 s10, $0x1;
	s10 =	sld [smem:$0x3FB8]  }
0x3d: {  	_ =	shalt  }
0x3e: {  	_ =	shalt  }
0x3f: {  	_ =	shalt  }
0x40: {  	_ =	shalt  }
0x41: {  	_ =	shalt  }
0x42: {  	_ =	shalt  }
0x43: {  	_ =	shalt  }
0x44: {  	_ =	shalt  }
0x45: {  	_ =	shalt  }
0x46: {  	_ =	shalt  }
0x47: {  	_ =	shalt  }
0x48: {  	_ =	shalt  }
0x49: {  	_ =	shalt  }
0x4a: {  	_ =	shalt  }
0x4b: {  	_ =	shalt  }
0x4c: {  	_ =	shalt  }
0x4d: {  	_ =	shalt  }
0x4e: {  	_ =	shalt  }
0x4f: {  	_ =	shalt  }
0x50: {  	_ =	shalt  }
0x51: {  	_ =	shalt  }
0x52: {  	_ =	shalt  }
0x53: {  	_ =	shalt  }
0x54: {  	_ =	shalt  }
0x55: {  	_ =	shalt  }
0x56: {  	_ =	shalt  }
0x57: {  	_ =	shalt  }
0x58: {  	_ =	shalt  }
0x59: {  	_ =	shalt  }
0x5a: {  	_ =	shalt  }
0x5b: {  	_ =	shalt  }
0x5c: {  	_ =	shalt  }
0x5d: {  	_ =	shalt  }
0x5e: {  	_ =	shalt  }
0x5f: {  	_ =	shalt  }
0x60: {  	_ =	shalt  }
0x61: {  	_ =	shalt  }
0x62: {  	_ =	shalt  }
0x63: {  	_ =	shalt  }
0x64: {  	_ =	shalt  }
0x65: {  	_ =	shalt  }
0x66: {  	_ =	shalt  }
0x67: {  	_ =	shalt  }
0x68: {  	_ =	shalt  }
0x69: {  	_ =	shalt  }
0x6a: {  	_ =	shalt  }
0x6b: {  	_ =	shalt  }
0x6c: {  	_ =	shalt  }
0x6d: {  	_ =	shalt  }
0x6e: {  	_ =	shalt  }
0x6f: {  	_ =	shalt  }
0x70: {  	_ =	shalt  }
0x71: {  	_ =	shalt  }
0x72: {  	_ =	shalt  }
0x73: {  	_ =	shalt  }
0x74: {  	_ =	shalt  }
0x75: {  	_ =	shalt  }
0x76: {  	_ =	shalt  }
0x77: {  	_ =	shalt  }
0x78: {  	_ =	shalt  }
0x79: {  	_ =	shalt  }
0x7a: {  	_ =	shalt  }
0x7b: {  	_ =	shalt  }
0x7c: {  	_ =	shalt  }
0x7d: {  	_ =	shalt  }
0x7e: {  	_ =	shalt  }
0x7f: {  	_ =	shalt  }
0x80: {  	_ =	shalt  }
0x81: {  	_ =	shalt  }
0x82: {  	_ =	shalt  }
0x83: {  	_ =	shalt  }
0x84: {  	_ =	shalt  }
0x85: {  	_ =	shalt  }
0x86: {  	_ =	shalt  }
0x87: {  	_ =	shalt  }
.Lfunc_end0:
.L_simem_size_0:
called_computation.1_lowered:
.L_overlay_start_0:
0x88: {  	s2 =	sld [smem:$0x3FD9]  }
0x89: {  	s3 =	sld [smem:$0x3FFE];
	_ =	sdelay $0x1  }
0x8a: {  	s1 =	srdreg.scid  }
0x8b: {  	s0 =	sand.u32 $0x1, s1  }
0x8c: {  	s17 =	sshll.u32 s0, $0xA;
	s2 =	sadd.s32 s3, s2  }
0x8d: {  	s2 =	sadd.s32 s2, s17  }
0x8e: {  	[smem:$0x3FC4] =	sst s2  }
0x8f: {  	_ = 	snop  }
0x90: {  	(tm) =	ssettm $0x1  }
0x91: {  	s18 =	sld [smem:$0x3FFB];
	_ =	sdelay $0x3  }
0x92: {  	_ =	strace s18  }
0x93: {  	s2 =	sld [smem:$0x3FFC];
	_ =	sdelay $0x3  }
0x94: {  	_ =	strace s2  }
0x95: {  	s2 =	sld [smem:$0x3FFD];
	_ =	sdelay $0x3  }
0x96: {  	_ =	strace s2  }
0x97: {  	_ =	strace $0x8FFFFFFF  }
0x98: {  	s19 =	sld [smem:$0x3FDB];
	_ =	sdelay $0x1  }
0x99: {  	s20 =	simm.s32 $_scs_section_size  }
0x9a: {  	s4 =	simm.s32 $_size__tile_overlayer_lowered;
	s5 =	simm.s32 $_tile_overlayer_lowered  }
0x9b: {  	s6 =	simm.s32 $0x1BFF;
	s21 =	sshll.u32 s5, $0x1;
	s3 =	sadd.s32 s20, s19  }
0x9c: {  	s22 =	simm.s32 $0x0;
	s4 =	sshll.u32 s4, $0x1;
	s5 =	sadd.s32 s21, s3  }
0x9d: {  	[timem:s22], [sflag:s6] =	dma.local [hbm:s5], s4  }
0x9e: {  	_ =	swait.ge [sflag:s6], s4  }
0x9f: {  	s4 =	ssub.s32 $0x0, s4;
	[sflag:s6] =	ssyncset.done $0x0  }
0xa0: {  	[sflag:s6] =	ssyncadd.s32 s4;
	_ =	sdelay $0x1  }
0xa1: {  	s23 =	simm.s32 $0x1B8B  }
0xa2: {  	_ =	swait.ge [sflag:s23], $0x1  }
0xa3: {  	[sflag:s23] =	ssyncset.done $0x0  }
0xa4: {  	[sflag:s23] =	ssyncadd.s32 $0xFFFFFFFF  }
0xa5: {  	s4 =	sld [smem:$0x0]  }
0xa6: {  	s5 =	sand.u32 $0xFFFFFFFE, s1  }
0xa7: {  	p0 =	sne.s32 s1, s5  }
0xa8: {  	s5 =	sshll.u32 @p0 s5, $0xE  }
0xa9: {  	s5 =	sadd.s32 @p0 $0x11B8D, s5;
	s6 =	sshll.u32 @p0 s4, $0x11  }
0xaa: {  	s5 =	sor.u32 @p0 s6, s5  }
0xab: {  	[sflag:s5] =	ssyncadd.remote.s32 @p0 $0x1;
	_ =	sdelay $0x1  }
0xac: {  	s5 =	simm.s32 @p0 $0x1B8D  }
0xad: {  	_ =	swait.eq @p0 [sflag:s5], $0x1  }
0xae: {  	[sflag:s5] =	ssyncadd.s32 @p0 $0xFFFFFFFF  }
0xaf: {  	s6 =	sshll.u32 @!p0 s1, $0xE  }
0xb0: {  	s6 =	sor.u32 @!p0 $0x4000, s6;
	s5 =	simm.s32 @!p0 $0x1B8D  }
0xb1: {  	s4 =	sshll.u32 @!p0 s4, $0x11;
	s6 =	sadd.s32 @!p0 $0x11B8D, s6;
	_ =	swait.eq @!p0 [sflag:s5], $0x1  }
0xb2: {  	s4 =	sor.u32 @!p0 s4, s6;
	[sflag:s5] =	ssyncadd.s32 @!p0 $0xFFFFFFFF  }
0xb3: {  	s25 =	simm.s32 $0x1B8E;
	s24 =	sld [smem:$0x3FFE];
	[sflag:s4] =	ssyncadd.remote.s32 @!p0 $0x1  }
0xb4: {  	s26 =	simm.s32 $execute0_lowered;
	[smem:$0x3FD2] =	sst s25  }
0xb5: {  	s5 =	sshll.u32 s26, $0x1;
	_ =	strace $0x80000049;
	[dreg:$0x1] =	wrdreg $0xFFFFFFFF  }
0xb6: {  	s28 =	simm.s32 $_size_execute0_lowered;
	s3 =	sadd.s32 s3, s5;
	[dreg:$0x0] =	wrdreg $0x0  }
0xb7: {  	s5 =	sshll.u32 s28, $0x1;
	[dreg:$0x2] =	wrdreg s3  }
0xb8: {  	[dreg:$0x3] =	wrdreg s5  }
0xb9: {  	[dreg:$0x4] =	wrdreg $0xC0  }
0xba: {  	_ =	task [dreg:s22], $0x5FFFF  }
0xbb: {  	[dreg:$0x1] =	wrdreg $0xFFFFFFFF  }
0xbc: {  	[dreg:$0x0] =	wrdreg $0x60  }
0xbd: {  	[dreg:$0x2] =	wrdreg s24  }
0xbe: {  	[dreg:$0x3] =	wrdreg $0xA  }
0xbf: {  	_ =	task.clear_ibuf [dreg:s22], $0x4FFFF;
	_ =	strace $0x90000049  }
0xc0: {  	s29 =	simm.s32 $0xA;
	_ =	strace $0x8000004B  }
0xc1: {  	_ =	swait.ge [sflag:s29], $0x1  }
0xc2: {  	[sflag:s29] =	ssyncadd.s32 $0xFFFFFFFF  }
0xc3: {  	_ =	strace $0x9000004B  }
0xc4: {  	_ =	sfence  }
0xc5: {  	s30 =	sld [smem:$0x0];
	_ =	sdelay $0x2  }
0xc6: {  	s31 =	sshll.u32 s1, $0xD;
	s1 =	sshrl.u32 s1, $0x2  }
0xc7: {  	s4 =	sand.u32 $0x4000, s31;
	s1 =	sadd.s32 s1, s30  }
0xc8: {  	s0 =	sor.u32 s4, s0;
	s1 =	sshll.u32 s1, $0x11  }
0xc9: {  	s0 =	sor.u32 s1, s0  }
0xca: {  	s0 =	sadd.s32 $0x8F2B, s0  }
0xcb: {  	[sflag:s0] =	ssyncadd.remote.s32 $0x1  }
0xcc: {  	_ =	sfence.sel $0xFFFF  }
0xcd: {  	[dreg:$0x0] =	wrdreg $0xFFFFFFFF;
	(pc) =	sbr.abs _section_cstart, $3  }
0xce: {  	[dreg:$0x1] =	wrdreg $0xFFFFFFFF  }
0xcf: {  	_ =	task.clear_ibuf [dreg:s22], $0x2FFFF;
	_ =	strace $0x9FFFFFFF  }
0xd0: {  	(tm) =	ssettm $0x7FFFFFFF  }
0xd1: {  	_ =	shalt  }
tec
execute0_lowered:
.L_overlay_start_1:
0x0: {  	(tag) =	ssettag $0x1  }
0x1: {  	s4 =	rddreg [dreg:$0x0]  }
0x2: {  	s0 =	rddreg [dreg:$0x1]  }
0x3: {  	s2 =	simm.s32 $0x0;
	s1 =	stileid.u32;
	s3 =	srdreg.scid  }
0x4: {  	[smem:$0x7FF] =	sst s2;
	s5 =	smul.u32 $0x64, s1  }
0x5: {  	s6 =	smul.u32 $0x3200, s1;
	s7 =	sand.u32 $0x1, s3;
	s3 =	sadd.s32 $0xE000, s4  }
0x6: {  	_ =	strace $0x8000004A;
	s8 =	ssub.s32 $0x2, s7;
	s9 =	smul.u32 $0x1900, s7  }
0x7: {  	s7 =	smul.u32 $0x32, s7;
	s6 =	sadd.s32 s6, s4;
	s10 =	sshrl.u32 s8, $0x1  }
0x8: {  	s11 =	sadd.s32 s5, s4;
	s29 =	ssub.s32 s8, s10;
	s30 =	sadd.s32 s9, s6  }
0x9: {  	s31 =	sadd.s32 s7, s11;
	s7 =	simm.s32 $0x2;
	s8 =	simm.s32 $0x190  }
0xa: {  	s9 =	simm.s32 $0x200;
	s10 =	simm.s32 $0x1;
	s11 =	simm.s32 $0x0  }
0xb: {  	s4 =	smax.u32 s29, $0x1;
	s5 =	sadd.s32 $0x4B4A00, s30;
	s6 =	sadd.s32 $0xC00, s31  }
.LBB2_1:
0xc: {  	s12 =	sadd.s32 $0x0, s6  }
0xd: {  	[tilespmem:s2], [sflag:$0x2] =	stream.linear.gather [hbm4b:s12+s2], $0x190, $0x38;
	[tilespmem:$0xCA00] =	vst v63  }
0xe: {  	_ =	swait.ge [sflag:s7], $0x190  }
0xf: {  	[sflag:s7] =	ssyncset.done $0x0  }
0x10: {  	[sflag:s7] =	ssyncadd.s32 $0xFFFFFE70  }
0x11: {  	[tilespmem:s9], [sflag:$0x1] =	stream.indirect.gather [hbm4b:s3+s8], $0x80, s2, s8, $0xb8;
	[tilespmem:$0xCA00] =	vst v63  }
0x12: {  	_ =	swait.ge [sflag:s10], $0xC800  }
0x13: {  	[sflag:s10] =	ssyncset.done $0x0  }
0x14: {  	[sflag:s10] =	ssyncadd.s32 $0xFFFF3800  }
0x15: {  	[hbm4b:s5+s2] =	stream.linear.scatter [tilespmem:s9], [sflag:$0x2], $0xC800, $0x38;
	[tilespmem:$0xCA00] =	vst v63  }
0x16: {  	s13 =	simm.s32 $0x640;
	_ =	swait.ge [sflag:s7], $0xC800  }
0x17: {  	s14 =	simm.s32 $0xC80;
	s12 =	sadd.s32 $0x32000, s5;
	[sflag:s7] =	ssyncset.done $0x0  }
.LBB2_2:
0x18: {  	s15 =	sadd.s32 s13, s6  }
0x19: {  	[sflag:s7] =	ssyncadd.s32 $0xFFFF3800;
	s13 =	smov.u32 s14;
	s16 =	sadd.s32 $0x640, s14  }
0x1a: {  	[tilespmem:s2], [sflag:$0x2] =	stream.linear.gather [hbm4b:s15+s2], $0x190, $0x38;
	[tilespmem:$0xCA00] =	vst v63  }
0x1b: {  	p0 =	sne.s32 s14, $0x5DC0;
	_ =	swait.ge [sflag:s7], $0x190  }
0x1c: {  	[sflag:s7] =	ssyncset.done $0x0  }
0x1d: {  	[sflag:s7] =	ssyncadd.s32 $0xFFFFFE70  }
0x1e: {  	[tilespmem:s9], [sflag:$0x1] =	stream.indirect.gather [hbm4b:s3+s8], $0x80, s2, s8, $0xb8;
	[tilespmem:$0xCA00] =	vst v63  }
0x1f: {  	_ =	swait.ge [sflag:s10], $0xC800  }
.Ltmp0:
0x20: {  	[sflag:s10] =	ssyncset.done $0x0;
	(pc) =	sbr.rel @p0 .LBB2_2-.Ltmp0, $4  }
0x21: {  	[sflag:s10] =	ssyncadd.s32 $0xFFFF3800  }
0x22: {  	[hbm4b:s12+s2] =	stream.linear.scatter [tilespmem:s9], [sflag:$0x2], $0xC800, $0x38;
	[tilespmem:$0xCA00] =	vst v63  }
0x23: {  	_ =	swait.ge [sflag:s7], $0xC800  }
0x24: {  	s14 =	smov.u32 s16;
	s12 =	sadd.s32 $0x32000, s12;
	[sflag:s7] =	ssyncset.done $0x0  }
0x25: {  	s13 =	sadd.s32 s13, s6;
	[sflag:s7] =	ssyncadd.s32 $0xFFFF3800  }
0x26: {  	[tilespmem:s2], [sflag:$0x2] =	stream.linear.gather [hbm4b:s13+s2], $0x190, $0x38;
	[tilespmem:$0xCA00] =	vst v63  }
0x27: {  	_ =	swait.ge [sflag:s7], $0x190  }
0x28: {  	[sflag:s7] =	ssyncset.done $0x0  }
0x29: {  	[sflag:s7] =	ssyncadd.s32 $0xFFFFFE70  }
0x2a: {  	[tilespmem:s9], [sflag:$0x1] =	stream.indirect.gather [hbm4b:s3+s8], $0x80, s2, s8, $0xb8;
	[tilespmem:$0xCA00] =	vst v63  }
0x2b: {  	s11 =	sadd.s32 $0x1, s11;
	_ =	swait.ge [sflag:s10], $0xC800  }
0x2c: {  	p0 =	sne.s32 s11, s4;
	[sflag:s10] =	ssyncset.done $0x0  }
.Ltmp1:
0x2d: {  	[sflag:s10] =	ssyncadd.s32 $0xFFFF3800;
	(pc) =	sbr.rel @p0 .LBB2_1-.Ltmp1, $4  }
0x2e: {  	[hbm4b:s12+s2] =	stream.linear.scatter [tilespmem:s9], [sflag:$0x2], $0xC800, $0x38;
	[tilespmem:$0xCA00] =	vst v63  }
0x2f: {  	_ =	swait.ge [sflag:s7], $0xC800  }
0x30: {  	[sflag:s7] =	ssyncset.done $0x0  }
0x31: {  	[sflag:s7] =	ssyncadd.s32 $0xFFFF3800  }
0x32: {  	_ =	sfence.sel $0x180000  }
0x33: {  	[bflag:$0x0] =	sbarrier.arrive $0xFFFF  }
0x34: {  	p0 =	sne.s32 s1, $0x0;
	_ =	strace $0x9000004A  }
0x35: {  	s0 =	sadd.s32 @!p0 $0x100000, s0;
	[bflag:$0x2] =	sbarrier.arrive $0xFFFF  }
0x36: {  	[sflag:s0] =	ssyncadd.tile.s32 @!p0 $0x1;
	_ =	shalt  }
.Lfunc_end2:
_tile_overlayer_lowered:
.L_overlay_start_2:
0x37: {  	(tag) =	ssettag $0x2  }
0x38: {  	s0 =	rddreg [dreg:$0x0];
	s2 =	stileid.u32  }
0x39: {  	s1 =	rddreg [dreg:$0x1];
	p0 =	sne.s32 s2, $0x0  }
0x3a: {  	s3 =	rddreg [dreg:$0x2];
	[bflag:$0x3] =	sbarrier.arrive $0xFFFF;
	s2 =	simm.s32 @!p0 $0x1C02  }
0x3b: {  	[timem:s3], [sflag:s2] =	dma.local @!p0 [hbm:s0], s1  }
0x3c: {  	s0 =	simm.s32 @!p0 $0x2  }
0x3d: {  	_ =	swait.ge @!p0 [sflag:s0], s1  }
0x3e: {  	s1 =	ssub.s32 @!p0 $0x0, s1;
	[sflag:s0] =	ssyncset.done @!p0 $0x0  }
0x3f: {  	[sflag:s0] =	ssyncadd.s32 @!p0 s1  }
0x40: {  	[bflag:$0x3] =	sbarrier.arrive $0xFFFF  }
0x41: {  	_ =	shalt  }

// kernel: kernel.7.cloned.1.call-start
scs
__scs_entry_jumppad:
0x0: {  	(pc) =	sbr.rel $0x88, $3  }
0x1: {  	(tag) =	ssettag $0x0;
	lr =	simm.s32 $0x1  }
0x2: {  	[smem:$0x3F9D] =	sst lr;
	_ =	strace $0xD0000000  }
0x3: {  	_ = 	snop  }
0x4: {  	_ = 	snop  }
0x5: {  	_ = 	snop  }
0x6: {  	_ = 	snop  }
0x7: {  	_ = 	snop  }
__scs_overlays_trampoline_lowered:
0x8: {  	[smem:$0x3FAC] =	sst s0  }
0x9: {  	[smem:$0x3FAD] =	sst s1  }
0xa: {  	[smem:$0x3FAE] =	sst s2  }
0xb: {  	[smem:$0x3FAF] =	sst s3  }
0xc: {  	[smem:$0x3FB0] =	sst s4  }
0xd: {  	[smem:$0x3FB1] =	sst s5  }
0xe: {  	[smem:$0x3FB2] =	sst s6  }
0xf: {  	[smem:$0x3FB3] =	sst s7  }
0x10: {  	[smem:$0x3FB4] =	sst s8  }
0x11: {  	[smem:$0x3FB5] =	sst s9;
	s0 =	simm.s32 @!p0 $0x0  }
0x12: {  	s1 =	sld [smem:$0x3F9B];
	s0 =	simm.s32 @p0 $0x1  }
0x13: {  	[smem:$0x3FB6] =	sst s0;
	s0 =	simm.s32 @!p1 $0x0  }
0x14: {  	s2 =	sld [smem:$0x3F9A];
	s0 =	simm.s32 @p1 $0x1  }
0x15: {  	[smem:$0x3FB7] =	sst s0;
	s0 =	simm.s32 @!p2 $0x0  }
0x16: {  	s3 =	sld [smem:$0x3FDB];
	s0 =	simm.s32 @p2 $0x1  }
0x17: {  	s4 =	simm.s32 $0x1BF5;
	[smem:$0x3FB9] =	sst s0  }
0x18: {  	s0 =	sld [smem:$0x3F9C];
	_ =	swait.ge [sflag:s4], $0x0  }
0x19: {  	s7 =	sld [smem:$0x3F9D]  }
0x1a: {  	s8 =	sadd.s32 $0xFFFFE003, lr  }
0x1b: {  	s9 =	sadd.s32 $0xFFFFFEF7, lr;
	s5 =	simm.s32 $0xFFFFFFFF;
	p2 =	slt.u32 s8, $0xFFFFF086  }
0x1c: {  	p1 =	slt.u32 s9, $0xF7A;
	s5 =	simm.s32 @!p2 $0x0  }
0x1d: {  	s5 =	simm.s32 @p1 $0x1;
	p0 =	seq.s32 s7, s2  }
0x1e: {  	s7 =	smul.u32 @!p0 $0xF7A, s2;
	p2 =	seq.s32 @!p0 s5, $0x0  }
0x1f: {  	s9 =	smul.u32 $0xF7A, s1;
	s8 =	simm.s32 @!p0 $0x1BF5;
	p2 =	por !p2, p0  }
0x20: {  	[sflag:s8] =	ssyncset.s32 @!p0 $0xFFFFF086;
	s6 =	sadd.s32 @!p0 s3, s7;
	s7 =	simm.s32 @!p0 $0x108  }
0x21: {  	s3 =	sadd.s32 s3, s9;
	s6 =	sadd.s32 @!p0 $0x88, s6;
	s7 =	simm.s32 @p2 $0x1082  }
0x22: {  	[simem:s7], [sflag:s8] =	dma.local @!p0 [hbm:s6], $0xF7A  }
0x23: {  	s9 =	sor.u32 $0xD0000000, s2;
	s6 =	simm.s32 $0x108;
	_ =	swait.ge @!p0 [sflag:s8], $0x0  }
0x24: {  	s3 =	sadd.s32 $0x88, s3;
	s6 =	simm.s32 @!p1 $0x1082;
	[sflag:s4] =	ssyncset.s32 $0xFFFFF086  }
0x25: {  	[simem:s6], [sflag:s4] =	dma.local [hbm:s3], $0xF7A  }
0x26: {  	[smem:$0x3F9D] =	sst s1;
	(tag) =	ssettag s2;
	_ =	strace s9  }
0x27: {  	s1 =	sld [smem:$0x3FAD]  }
0x28: {  	s2 =	sld [smem:$0x3FAE]  }
0x29: {  	s4 =	sld [smem:$0x3FB0]  }
0x2a: {  	p0 =	seq.s32 s5, $0x0;
	s5 =	sld [smem:$0x3FB1]  }
0x2b: {  	s6 =	sld [smem:$0x3FB2]  }
0x2c: {  	s7 =	sld [smem:$0x3FB3]  }
0x2d: {  	s3 =	simm.s32 $0x108;
	s8 =	sld [smem:$0x3FB4]  }
0x2e: {  	s3 =	simm.s32 @!p0 $0x1082;
	s9 =	sld [smem:$0x3FB5]  }
0x2f: {  	lr =	sadd.s32 s0, s3;
	s0 =	sld [smem:$0x3FAC]  }
0x30: {  	s3 =	sld [smem:$0x3FAF]  }
0x31: {  	[smem:$0x3FB8] =	sst s10  }
0x32: {  	s10 =	sld [smem:$0x3FB6];
	_ =	sdelay $0x3  }
0x33: {  	p0 =	seq.s32 s10, $0x1;
	s10 =	sld [smem:$0x3FB8];
	_ =	sdelay $0x3  }
0x34: {  	[smem:$0x3FB8] =	sst s10  }
0x35: {  	s10 =	sld [smem:$0x3FB7];
	_ =	sdelay $0x3  }
0x36: {  	p1 =	seq.s32 s10, $0x1;
	s10 =	sld [smem:$0x3FB8];
	_ =	sdelay $0x3  }
0x37: {  	[smem:$0x3FB8] =	sst s10  }
0x38: {  	s10 =	sld [smem:$0x3FB9]  }
0x39: {  	_ = 	snop;
	(pc) =	sbr.ind lr, $3  }
0x3a: {  	_ = 	snop  }
0x3b: {  	_ = 	snop  }
0x3c: {  	p2 =	seq.s32 s10, $0x1;
	s10 =	sld [smem:$0x3FB8]  }
0x3d: {  	_ =	shalt  }
0x3e: {  	_ =	shalt  }
0x3f: {  	_ =	shalt  }
0x40: {  	_ =	shalt  }
0x41: {  	_ =	shalt  }
0x42: {  	_ =	shalt  }
0x43: {  	_ =	shalt  }
0x44: {  	_ =	shalt  }
0x45: {  	_ =	shalt  }
0x46: {  	_ =	shalt  }
0x47: {  	_ =	shalt  }
0x48: {  	_ =	shalt  }
0x49: {  	_ =	shalt  }
0x4a: {  	_ =	shalt  }
0x4b: {  	_ =	shalt  }
0x4c: {  	_ =	shalt  }
0x4d: {  	_ =	shalt  }
0x4e: {  	_ =	shalt  }
0x4f: {  	_ =	shalt  }
0x50: {  	_ =	shalt  }
0x51: {  	_ =	shalt  }
0x52: {  	_ =	shalt  }
0x53: {  	_ =	shalt  }
0x54: {  	_ =	shalt  }
0x55: {  	_ =	shalt  }
0x56: {  	_ =	shalt  }
0x57: {  	_ =	shalt  }
0x58: {  	_ =	shalt  }
0x59: {  	_ =	shalt  }
0x5a: {  	_ =	shalt  }
0x5b: {  	_ =	shalt  }
0x5c: {  	_ =	shalt  }
0x5d: {  	_ =	shalt  }
0x5e: {  	_ =	shalt  }
0x5f: {  	_ =	shalt  }
0x60: {  	_ =	shalt  }
0x61: {  	_ =	shalt  }
0x62: {  	_ =	shalt  }
0x63: {  	_ =	shalt  }
0x64: {  	_ =	shalt  }
0x65: {  	_ =	shalt  }
0x66: {  	_ =	shalt  }
0x67: {  	_ =	shalt  }
0x68: {  	_ =	shalt  }
0x69: {  	_ =	shalt  }
0x6a: {  	_ =	shalt  }
0x6b: {  	_ =	shalt  }
0x6c: {  	_ =	shalt  }
0x6d: {  	_ =	shalt  }
0x6e: {  	_ =	shalt  }
0x6f: {  	_ =	shalt  }
0x70: {  	_ =	shalt  }
0x71: {  	_ =	shalt  }
0x72: {  	_ =	shalt  }
0x73: {  	_ =	shalt  }
0x74: {  	_ =	shalt  }
0x75: {  	_ =	shalt  }
0x76: {  	_ =	shalt  }
0x77: {  	_ =	shalt  }
0x78: {  	_ =	shalt  }
0x79: {  	_ =	shalt  }
0x7a: {  	_ =	shalt  }
0x7b: {  	_ =	shalt  }
0x7c: {  	_ =	shalt  }
0x7d: {  	_ =	shalt  }
0x7e: {  	_ =	shalt  }
0x7f: {  	_ =	shalt  }
0x80: {  	_ =	shalt  }
0x81: {  	_ =	shalt  }
0x82: {  	_ =	shalt  }
0x83: {  	_ =	shalt  }
0x84: {  	_ =	shalt  }
0x85: {  	_ =	shalt  }
0x86: {  	_ =	shalt  }
0x87: {  	_ =	shalt  }
.Lfunc_end0:
.L_simem_size_0:
called_computation_lowered:
.L_overlay_start_0:
0x88: {  	s2 =	sld [smem:$0x3FD9]  }
0x89: {  	s3 =	sld [smem:$0x3FFE];
	_ =	sdelay $0x1  }
0x8a: {  	s1 =	srdreg.scid  }
0x8b: {  	s0 =	sand.u32 $0x1, s1  }
0x8c: {  	s16 =	sshll.u32 s0, $0xA;
	s2 =	sadd.s32 s3, s2  }
0x8d: {  	s2 =	sadd.s32 s2, s16  }
0x8e: {  	[smem:$0x3FC4] =	sst s2  }
0x8f: {  	_ = 	snop  }
0x90: {  	(tm) =	ssettm $0x1  }
0x91: {  	s17 =	sld [smem:$0x3FFB];
	_ =	sdelay $0x3  }
0x92: {  	_ =	strace s17  }
0x93: {  	s2 =	sld [smem:$0x3FFC];
	_ =	sdelay $0x3  }
0x94: {  	_ =	strace s2  }
0x95: {  	s2 =	sld [smem:$0x3FFD];
	_ =	sdelay $0x3  }
0x96: {  	_ =	strace s2  }
0x97: {  	_ =	strace $0x8FFFFFFF  }
0x98: {  	s18 =	sld [smem:$0x3FDB];
	_ =	sdelay $0x1  }
0x99: {  	s19 =	simm.s32 $_scs_section_size  }
0x9a: {  	s4 =	simm.s32 $_size__tile_overlayer_lowered;
	s5 =	simm.s32 $_tile_overlayer_lowered  }
0x9b: {  	s22 =	simm.s32 $0x1BFF;
	s21 =	sshll.u32 s5, $0x1;
	s2 =	sadd.s32 s19, s18  }
0x9c: {  	s6 =	simm.s32 $0x0;
	s20 =	sshll.u32 s4, $0x1;
	s4 =	sadd.s32 s21, s2  }
0x9d: {  	[timem:s6], [sflag:s22] =	dma.local [hbm:s4], s20  }
0x9e: {  	_ =	swait.ge [sflag:s22], s20  }
0x9f: {  	s3 =	ssub.s32 $0x0, s20;
	[sflag:s22] =	ssyncset.done $0x0  }
0xa0: {  	[sflag:s22] =	ssyncadd.s32 s3;
	_ =	sdelay $0x1  }
0xa1: {  	s23 =	simm.s32 $0x1B8B  }
0xa2: {  	_ =	swait.ge [sflag:s23], $0x1  }
0xa3: {  	[sflag:s23] =	ssyncset.done $0x0  }
0xa4: {  	s25 =	simm.s32 $0x1B8E;
	s24 =	sld [smem:$0x3FFE];
	[sflag:s23] =	ssyncadd.s32 $0xFFFFFFFF  }
0xa5: {  	s26 =	simm.s32 $execute0_lowered;
	[smem:$0x3FD2] =	sst s25  }
0xa6: {  	s4 =	sshll.u32 s26, $0x1;
	_ =	strace $0x80000046;
	[dreg:$0x1] =	wrdreg $0xFFFFFFFF  }
0xa7: {  	s28 =	simm.s32 $_size_execute0_lowered;
	s2 =	sadd.s32 s2, s4;
	[dreg:$0x0] =	wrdreg $0x0  }
0xa8: {  	s4 =	sshll.u32 s28, $0x1;
	[dreg:$0x2] =	wrdreg s2  }
0xa9: {  	[dreg:$0x3] =	wrdreg s4  }
0xaa: {  	[dreg:$0x4] =	wrdreg $0xC0  }
0xab: {  	_ =	task [dreg:s6], $0x5FFFF  }
0xac: {  	[dreg:$0x1] =	wrdreg $0xFFFFFFFF  }
0xad: {  	[dreg:$0x0] =	wrdreg $0x60  }
0xae: {  	[dreg:$0x2] =	wrdreg s24  }
0xaf: {  	[dreg:$0x3] =	wrdreg $0x9  }
0xb0: {  	_ =	task.clear_ibuf [dreg:s6], $0x4FFFF;
	_ =	strace $0x90000046  }
0xb1: {  	s29 =	simm.s32 $0x9;
	_ =	strace $0x80000048  }
0xb2: {  	_ =	swait.ge [sflag:s29], $0x1  }
0xb3: {  	[sflag:s29] =	ssyncadd.s32 $0xFFFFFFFF  }
0xb4: {  	_ =	strace $0x90000048  }
0xb5: {  	_ =	sfence  }
0xb6: {  	s30 =	sld [smem:$0x0];
	_ =	sdelay $0x2  }
0xb7: {  	s31 =	sshll.u32 s1, $0xD;
	s1 =	sshrl.u32 s1, $0x2  }
0xb8: {  	s3 =	sand.u32 $0x4000, s31;
	s1 =	sadd.s32 s1, s30  }
0xb9: {  	s0 =	sor.u32 s3, s0;
	s1 =	sshll.u32 s1, $0x11  }
0xba: {  	s0 =	sor.u32 s1, s0  }
0xbb: {  	s0 =	sadd.s32 $0x8F2B, s0  }
0xbc: {  	[sflag:s0] =	ssyncadd.remote.s32 $0x1  }
0xbd: {  	_ =	sfence.sel $0xFFFF  }
0xbe: {  	[dreg:$0x0] =	wrdreg $0xFFFFFFFF;
	(pc) =	sbr.abs _section_cstart, $3  }
0xbf: {  	[dreg:$0x1] =	wrdreg $0xFFFFFFFF  }
0xc0: {  	_ =	task.clear_ibuf [dreg:s6], $0x2FFFF;
	_ =	strace $0x9FFFFFFF  }
0xc1: {  	(tm) =	ssettm $0x7FFFFFFF  }
tec
execute0_lowered:
.L_overlay_start_1:
0x0: {  	(tag) =	ssettag $0x1  }
0x1: {  	s4 =	rddreg [dreg:$0x0]  }
0x2: {  	s0 =	rddreg [dreg:$0x1]  }
0x3: {  	s2 =	simm.s32 $0x0;
	s1 =	stileid.u32;
	s3 =	srdreg.scid  }
0x4: {  	[smem:$0x7FF] =	sst s2;
	s5 =	smul.u32 $0x64, s1  }
0x5: {  	s6 =	smul.u32 $0x3200, s1;
	s7 =	sand.u32 $0x1, s3;
	s3 =	sadd.s32 $0xE000, s4  }
0x6: {  	_ =	strace $0x80000047;
	s8 =	ssub.s32 $0x2, s7;
	s9 =	smul.u32 $0x1900, s7  }
0x7: {  	s7 =	smul.u32 $0x32, s7;
	s6 =	sadd.s32 s6, s4;
	s10 =	sshrl.u32 s8, $0x1  }
0x8: {  	s11 =	sadd.s32 s5, s4;
	s29 =	ssub.s32 s8, s10;
	s30 =	sadd.s32 s9, s6  }
0x9: {  	s31 =	sadd.s32 s7, s11;
	s7 =	simm.s32 $0x2;
	s8 =	simm.s32 $0x190  }
0xa: {  	s9 =	simm.s32 $0x200;
	s10 =	simm.s32 $0x1;
	s11 =	simm.s32 $0x0  }
0xb: {  	s4 =	smax.u32 s29, $0x1;
	s5 =	sadd.s32 $0x194A00, s30;
	s6 =	sadd.s32 $0x7C00, s31  }
.LBB2_1:
0xc: {  	s12 =	sadd.s32 $0x0, s6  }
0xd: {  	[tilespmem:s2], [sflag:$0x2] =	stream.linear.gather [hbm4b:s12+s2], $0x190, $0x38;
	[tilespmem:$0xCA00] =	vst v63  }
0xe: {  	_ =	swait.ge [sflag:s7], $0x190  }
0xf: {  	[sflag:s7] =	ssyncset.done $0x0  }
0x10: {  	[sflag:s7] =	ssyncadd.s32 $0xFFFFFE70  }
0x11: {  	[tilespmem:s9], [sflag:$0x1] =	stream.indirect.gather [hbm4b:s3+s8], $0x80, s2, s8, $0xb8;
	[tilespmem:$0xCA00] =	vst v63  }
0x12: {  	_ =	swait.ge [sflag:s10], $0xC800  }
0x13: {  	[sflag:s10] =	ssyncset.done $0x0  }
0x14: {  	[sflag:s10] =	ssyncadd.s32 $0xFFFF3800  }
0x15: {  	[hbm4b:s5+s2] =	stream.linear.scatter [tilespmem:s9], [sflag:$0x2], $0xC800, $0x38;
	[tilespmem:$0xCA00] =	vst v63  }
0x16: {  	s13 =	simm.s32 $0x640;
	_ =	swait.ge [sflag:s7], $0xC800  }
0x17: {  	s14 =	simm.s32 $0xC80;
	s12 =	sadd.s32 $0x32000, s5;
	[sflag:s7] =	ssyncset.done $0x0  }
.LBB2_2:
0x18: {  	s15 =	sadd.s32 s13, s6  }
0x19: {  	[sflag:s7] =	ssyncadd.s32 $0xFFFF3800;
	s13 =	smov.u32 s14;
	s16 =	sadd.s32 $0x640, s14  }
0x1a: {  	[tilespmem:s2], [sflag:$0x2] =	stream.linear.gather [hbm4b:s15+s2], $0x190, $0x38;
	[tilespmem:$0xCA00] =	vst v63  }
0x1b: {  	p0 =	sne.s32 s14, $0x5DC0;
	_ =	swait.ge [sflag:s7], $0x190  }
0x1c: {  	[sflag:s7] =	ssyncset.done $0x0  }
0x1d: {  	[sflag:s7] =	ssyncadd.s32 $0xFFFFFE70  }
0x1e: {  	[tilespmem:s9], [sflag:$0x1] =	stream.indirect.gather [hbm4b:s3+s8], $0x80, s2, s8, $0xb8;
	[tilespmem:$0xCA00] =	vst v63  }
0x1f: {  	_ =	swait.ge [sflag:s10], $0xC800  }
.Ltmp0:
0x20: {  	[sflag:s10] =	ssyncset.done $0x0;
	(pc) =	sbr.rel @p0 .LBB2_2-.Ltmp0, $4  }
0x21: {  	[sflag:s10] =	ssyncadd.s32 $0xFFFF3800  }
0x22: {  	[hbm4b:s12+s2] =	stream.linear.scatter [tilespmem:s9], [sflag:$0x2], $0xC800, $0x38;
	[tilespmem:$0xCA00] =	vst v63  }
0x23: {  	_ =	swait.ge [sflag:s7], $0xC800  }
0x24: {  	s14 =	smov.u32 s16;
	s12 =	sadd.s32 $0x32000, s12;
	[sflag:s7] =	ssyncset.done $0x0  }
0x25: {  	s13 =	sadd.s32 s13, s6;
	[sflag:s7] =	ssyncadd.s32 $0xFFFF3800  }
0x26: {  	[tilespmem:s2], [sflag:$0x2] =	stream.linear.gather [hbm4b:s13+s2], $0x190, $0x38;
	[tilespmem:$0xCA00] =	vst v63  }
0x27: {  	_ =	swait.ge [sflag:s7], $0x190  }
0x28: {  	[sflag:s7] =	ssyncset.done $0x0  }
0x29: {  	[sflag:s7] =	ssyncadd.s32 $0xFFFFFE70  }
0x2a: {  	[tilespmem:s9], [sflag:$0x1] =	stream.indirect.gather [hbm4b:s3+s8], $0x80, s2, s8, $0xb8;
	[tilespmem:$0xCA00] =	vst v63  }
0x2b: {  	s11 =	sadd.s32 $0x1, s11;
	_ =	swait.ge [sflag:s10], $0xC800  }
0x2c: {  	p0 =	sne.s32 s11, s4;
	[sflag:s10] =	ssyncset.done $0x0  }
.Ltmp1:
0x2d: {  	[sflag:s10] =	ssyncadd.s32 $0xFFFF3800;
	(pc) =	sbr.rel @p0 .LBB2_1-.Ltmp1, $4  }
0x2e: {  	[hbm4b:s12+s2] =	stream.linear.scatter [tilespmem:s9], [sflag:$0x2], $0xC800, $0x38;
	[tilespmem:$0xCA00] =	vst v63  }
0x2f: {  	_ =	swait.ge [sflag:s7], $0xC800  }
0x30: {  	[sflag:s7] =	ssyncset.done $0x0  }
0x31: {  	[sflag:s7] =	ssyncadd.s32 $0xFFFF3800  }
0x32: {  	_ =	sfence.sel $0x180000  }
0x33: {  	[bflag:$0x0] =	sbarrier.arrive $0xFFFF  }
0x34: {  	p0 =	sne.s32 s1, $0x0;
	_ =	strace $0x90000047  }
0x35: {  	s0 =	sadd.s32 @!p0 $0x100000, s0;
	[bflag:$0x2] =	sbarrier.arrive $0xFFFF  }
0x36: {  	[sflag:s0] =	ssyncadd.tile.s32 @!p0 $0x1;
	_ =	shalt  }
.Lfunc_end2:
_tile_overlayer_lowered:
.L_overlay_start_2:
0x37: {  	(tag) =	ssettag $0x2  }
0x38: {  	s0 =	rddreg [dreg:$0x0];
	s2 =	stileid.u32  }
0x39: {  	s1 =	rddreg [dreg:$0x1];
	p0 =	sne.s32 s2, $0x0  }
0x3a: {  	s3 =	rddreg [dreg:$0x2];
	[bflag:$0x3] =	sbarrier.arrive $0xFFFF;
	s2 =	simm.s32 @!p0 $0x1C02  }
0x3b: {  	[timem:s3], [sflag:s2] =	dma.local @!p0 [hbm:s0], s1  }
0x3c: {  	s0 =	simm.s32 @!p0 $0x2  }
0x3d: {  	_ =	swait.ge @!p0 [sflag:s0], s1  }
0x3e: {  	s1 =	ssub.s32 @!p0 $0x0, s1;
	[sflag:s0] =	ssyncset.done @!p0 $0x0  }
0x3f: {  	[sflag:s0] =	ssyncadd.s32 @!p0 s1  }
0x40: {  	[bflag:$0x3] =	sbarrier.arrive $0xFFFF  }
0x41: {  	_ =	shalt  }

</sc_bundles>
